<compile_context>
chip_gen: v7x
topology: tpu7x:2x2x1
jax: 0.10.2.dev20260603
libtpu: 0.0.44.dev20260713+nightly
codegen_flags: <defaults>
</compile_context>

<pallas_src>
import jax
import jax.numpy as jnp
from jax.experimental import pallas as pl
from jax.experimental.pallas import tpu as pltpu

_EMB = 64
_POS = 588
_DIN = 16
_B = 1024
_NCH = 8
_G = 8

_ROWS = _B * _POS // _G
_PERIOD = 147
_RB = 1176
_NSTEPS = _ROWS // _RB


def _kernel_body(cbt_ref, emb8_ref, w8_ref, x_ref, o_ref, y_scr):
    @pl.when(pl.program_id(0) == 0)
    def _init():
        iota = jax.lax.broadcasted_iota(jnp.int32, (_PERIOD, _NCH), 1)
        oh = jnp.concatenate(
            [(cbt_ref[:, j][:, None] == iota).astype(jnp.float32)
             for j in range(_G)], axis=1)
        y = jnp.dot(oh, emb8_ref[...],
                    preferred_element_type=jnp.float32)
        for k in range(_RB // _PERIOD):
            y_scr[pl.ds(k * _PERIOD, _PERIOD), :] = y

    d = jnp.dot(x_ref[...], w8_ref[...],
                preferred_element_type=jnp.float32)
    o_ref[...] = d + y_scr[...]


def kernel(x, emb_table, W, b, channel_base):
    x2 = x.reshape(_ROWS, 128)
    eye = jnp.eye(_G, dtype=jnp.float32)
    W8 = jnp.kron(eye, W)
    emb8 = jnp.kron(eye, emb_table + b[None, :])
    cb = channel_base.astype(jnp.int32)
    cbt = cb[(8 * jnp.arange(_PERIOD)[:, None] + jnp.arange(_G)[None, :])
             % _POS]
    out = pl.pallas_call(
        _kernel_body,
        grid=(_NSTEPS,),
        in_specs=[
            pl.BlockSpec((_PERIOD, _G), lambda i: (0, 0)),
            pl.BlockSpec((_G * _NCH, 512), lambda i: (0, 0)),
            pl.BlockSpec((128, 512), lambda i: (0, 0)),
            pl.BlockSpec((_RB, 128), lambda i: (i, 0)),
        ],
        out_specs=pl.BlockSpec((_RB, 512), lambda i: (i, 0)),
        out_shape=jax.ShapeDtypeStruct((_ROWS, 512), jnp.float32),
        scratch_shapes=[pltpu.VMEM((_RB, 512), jnp.float32)],
    )(cbt, emb8, W8, x2)
    return out.reshape(_B, _POS, _EMB)

# --- scband reference (transcript-rebuilt; emitter-appended) ---
"""Pipeline reference for scband-channel-embedding-1786706395304 (READ-ONLY COPY).

The authoritative reference and input builder live on the scoring server;
editing this copy changes nothing except your own understanding.
"""

import jax, jax.numpy as jnp
import numpy as np

EMB = 64
CH = 7
LB = 64
FC = 16
FPC = LB + FC + 4  # 84 features per channel
POS = CH * FPC     # 588 positions
DIN = 16
B = 1024


def _channel_base():
    base = np.zeros(POS, dtype=np.int64)
    for i in range(CH):
        base[i * FPC:] = i + 1
    return jnp.asarray(base)


def setup_inputs(seed: int = 0) -> dict:
    key = jax.random.key(seed)
    k1, k2, k3 = jax.random.split(key, 3)
    x = jax.random.normal(k1, (B, POS, DIN), dtype=jnp.float32)
    emb_table = jax.random.normal(k2, (CH + 1, EMB), dtype=jnp.float32) * 0.05
    W = jax.random.normal(k3, (DIN, EMB), dtype=jnp.float32) * (1.0 / np.sqrt(DIN))
    b = jnp.zeros((EMB,), dtype=jnp.float32)
    channel_base = _channel_base()
    return {"x": x, "emb_table": emb_table, "W": W, "b": b, "channel_base": channel_base}


def reference(x, emb_table, W, b, channel_base):
    # y = Embedding(aChannelBase): gather rows of the channel embedding table
    y = jnp.take(emb_table, channel_base, axis=0)  # [POS, EMB]
    # y = y + Dense(x): per-position linear projection of x, broadcast add
    dense = jnp.einsum('bpd,de->bpe', x, W) + b    # [B, POS, EMB]
    return y + dense

if __name__ == "__main__":
    import jax
    _d = setup_inputs()
    print(jax.jit(kernel)(*tuple(_d.values())))

</pallas_src>

<mosaic_0001>
module attributes {stable_mosaic.version = 14 : i64} {
  func.func @_kernel_body(%arg0: i32, %arg1: memref<147x8xi32, #tpu.memory_space<vmem>>, %arg2: memref<64x512xf32, #tpu.memory_space<vmem>>, %arg3: memref<128x512xf32, #tpu.memory_space<vmem>>, %arg4: memref<1176x128xf32, #tpu.memory_space<vmem>>, %arg5: memref<1176x512xf32, #tpu.memory_space<vmem>>, %arg6: memref<1176x512xf32, #tpu.memory_space<vmem>>) attributes {dimension_semantics = [#tpu.dimension_semantics<arbitrary>], iteration_bounds = array<i64: 64>, scalar_prefetch = 0 : i64, scratch_operands = 1 : i64, tpu.core_type = #tpu.core_type<tc>, window_params = [{pipeline_mode = #tpu.pipeline_mode<synchronous>, transform_indices = @transform_0, window_bounds = array<i64: 147, 8>}, {pipeline_mode = #tpu.pipeline_mode<synchronous>, transform_indices = @transform_1, window_bounds = array<i64: 64, 512>}, {pipeline_mode = #tpu.pipeline_mode<synchronous>, transform_indices = @transform_2, window_bounds = array<i64: 128, 512>}, {transform_indices = @transform_3, window_bounds = array<i64: 1176, 128>}, {transform_indices = @transform_4, window_bounds = array<i64: 1176, 512>}]} {
    %eq3A = arith.constant 0 : i32
    %eq3A_0 = arith.cmpi eq, %arg0, %eq3A : i32
    %convert_element_type3A = arith.extui %eq3A_0 : i1 to i32
    %cond3A = arith.constant 0 : i32
    %cond3A_1 = arith.cmpi ne, %convert_element_type3A, %cond3A : i32
    scf.if %cond3A_1 {
      %iota3A = tpu.iota {dimensions = array<i32: 1>} : vector<147x8xi32>
      %get3A_13 = arith.constant 0 : index
      %get3A_14 = arith.constant 0 : index
      %get3A_15 = vector.load %arg1[%get3A_13, %get3A_14] : memref<147x8xi32, #tpu.memory_space<vmem>>, vector<147x1xi32>
      %get3A_16 = vector.shape_cast %get3A_15 : vector<147x1xi32> to vector<147xi32>
      %broadcast_in_dim3A = vector.shape_cast %get3A_16 : vector<147xi32> to vector<147x1xi32>
      %eq3A_17 = vector.broadcast %broadcast_in_dim3A : vector<147x1xi32> to vector<147x8xi32>
      %eq3A_18 = arith.cmpi eq, %eq3A_17, %iota3A : vector<147x8xi32>
      %convert_element_type3A_19 = arith.extui %eq3A_18 : vector<147x8xi1> to vector<147x8xi32>
      %convert_element_type3A_20 = arith.sitofp %convert_element_type3A_19 : vector<147x8xi32> to vector<147x8xf32>
      %get3A_21 = arith.constant 0 : index
      %get3A_22 = arith.constant 1 : index
      %get3A_23 = vector.load %arg1[%get3A_21, %get3A_22] : memref<147x8xi32, #tpu.memory_space<vmem>>, vector<147x1xi32>
      %get3A_24 = vector.shape_cast %get3A_23 : vector<147x1xi32> to vector<147xi32>
      %broadcast_in_dim3A_25 = vector.shape_cast %get3A_24 : vector<147xi32> to vector<147x1xi32>
      %eq3A_26 = vector.broadcast %broadcast_in_dim3A_25 : vector<147x1xi32> to vector<147x8xi32>
      %eq3A_27 = arith.cmpi eq, %eq3A_26, %iota3A : vector<147x8xi32>
      %convert_element_type3A_28 = arith.extui %eq3A_27 : vector<147x8xi1> to vector<147x8xi32>
      %convert_element_type3A_29 = arith.sitofp %convert_element_type3A_28 : vector<147x8xi32> to vector<147x8xf32>
      %get3A_30 = arith.constant 0 : index
      %get3A_31 = arith.constant 2 : index
      %get3A_32 = vector.load %arg1[%get3A_30, %get3A_31] : memref<147x8xi32, #tpu.memory_space<vmem>>, vector<147x1xi32>
      %get3A_33 = vector.shape_cast %get3A_32 : vector<147x1xi32> to vector<147xi32>
      %broadcast_in_dim3A_34 = vector.shape_cast %get3A_33 : vector<147xi32> to vector<147x1xi32>
      %eq3A_35 = vector.broadcast %broadcast_in_dim3A_34 : vector<147x1xi32> to vector<147x8xi32>
      %eq3A_36 = arith.cmpi eq, %eq3A_35, %iota3A : vector<147x8xi32>
      %convert_element_type3A_37 = arith.extui %eq3A_36 : vector<147x8xi1> to vector<147x8xi32>
      %convert_element_type3A_38 = arith.sitofp %convert_element_type3A_37 : vector<147x8xi32> to vector<147x8xf32>
      %get3A_39 = arith.constant 0 : index
      %get3A_40 = arith.constant 3 : index
      %get3A_41 = vector.load %arg1[%get3A_39, %get3A_40] : memref<147x8xi32, #tpu.memory_space<vmem>>, vector<147x1xi32>
      %get3A_42 = vector.shape_cast %get3A_41 : vector<147x1xi32> to vector<147xi32>
      %broadcast_in_dim3A_43 = vector.shape_cast %get3A_42 : vector<147xi32> to vector<147x1xi32>
      %eq3A_44 = vector.broadcast %broadcast_in_dim3A_43 : vector<147x1xi32> to vector<147x8xi32>
      %eq3A_45 = arith.cmpi eq, %eq3A_44, %iota3A : vector<147x8xi32>
      %convert_element_type3A_46 = arith.extui %eq3A_45 : vector<147x8xi1> to vector<147x8xi32>
      %convert_element_type3A_47 = arith.sitofp %convert_element_type3A_46 : vector<147x8xi32> to vector<147x8xf32>
      %get3A_48 = arith.constant 0 : index
      %get3A_49 = arith.constant 4 : index
      %get3A_50 = vector.load %arg1[%get3A_48, %get3A_49] : memref<147x8xi32, #tpu.memory_space<vmem>>, vector<147x1xi32>
      %get3A_51 = vector.shape_cast %get3A_50 : vector<147x1xi32> to vector<147xi32>
      %broadcast_in_dim3A_52 = vector.shape_cast %get3A_51 : vector<147xi32> to vector<147x1xi32>
      %eq3A_53 = vector.broadcast %broadcast_in_dim3A_52 : vector<147x1xi32> to vector<147x8xi32>
      %eq3A_54 = arith.cmpi eq, %eq3A_53, %iota3A : vector<147x8xi32>
      %convert_element_type3A_55 = arith.extui %eq3A_54 : vector<147x8xi1> to vector<147x8xi32>
      %convert_element_type3A_56 = arith.sitofp %convert_element_type3A_55 : vector<147x8xi32> to vector<147x8xf32>
      %get3A_57 = arith.constant 0 : index
      %get3A_58 = arith.constant 5 : index
      %get3A_59 = vector.load %arg1[%get3A_57, %get3A_58] : memref<147x8xi32, #tpu.memory_space<vmem>>, vector<147x1xi32>
      %get3A_60 = vector.shape_cast %get3A_59 : vector<147x1xi32> to vector<147xi32>
      %broadcast_in_dim3A_61 = vector.shape_cast %get3A_60 : vector<147xi32> to vector<147x1xi32>
      %eq3A_62 = vector.broadcast %broadcast_in_dim3A_61 : vector<147x1xi32> to vector<147x8xi32>
      %eq3A_63 = arith.cmpi eq, %eq3A_62, %iota3A : vector<147x8xi32>
      %convert_element_type3A_64 = arith.extui %eq3A_63 : vector<147x8xi1> to vector<147x8xi32>
      %convert_element_type3A_65 = arith.sitofp %convert_element_type3A_64 : vector<147x8xi32> to vector<147x8xf32>
      %get3A_66 = arith.constant 0 : index
      %get3A_67 = arith.constant 6 : index
      %get3A_68 = vector.load %arg1[%get3A_66, %get3A_67] : memref<147x8xi32, #tpu.memory_space<vmem>>, vector<147x1xi32>
      %get3A_69 = vector.shape_cast %get3A_68 : vector<147x1xi32> to vector<147xi32>
      %broadcast_in_dim3A_70 = vector.shape_cast %get3A_69 : vector<147xi32> to vector<147x1xi32>
      %eq3A_71 = vector.broadcast %broadcast_in_dim3A_70 : vector<147x1xi32> to vector<147x8xi32>
      %eq3A_72 = arith.cmpi eq, %eq3A_71, %iota3A : vector<147x8xi32>
      %convert_element_type3A_73 = arith.extui %eq3A_72 : vector<147x8xi1> to vector<147x8xi32>
      %convert_element_type3A_74 = arith.sitofp %convert_element_type3A_73 : vector<147x8xi32> to vector<147x8xf32>
      %get3A_75 = arith.constant 0 : index
      %get3A_76 = arith.constant 7 : index
      %get3A_77 = vector.load %arg1[%get3A_75, %get3A_76] : memref<147x8xi32, #tpu.memory_space<vmem>>, vector<147x1xi32>
      %get3A_78 = vector.shape_cast %get3A_77 : vector<147x1xi32> to vector<147xi32>
      %broadcast_in_dim3A_79 = vector.shape_cast %get3A_78 : vector<147xi32> to vector<147x1xi32>
      %eq3A_80 = vector.broadcast %broadcast_in_dim3A_79 : vector<147x1xi32> to vector<147x8xi32>
      %eq3A_81 = arith.cmpi eq, %eq3A_80, %iota3A : vector<147x8xi32>
      %convert_element_type3A_82 = arith.extui %eq3A_81 : vector<147x8xi1> to vector<147x8xi32>
      %convert_element_type3A_83 = arith.sitofp %convert_element_type3A_82 : vector<147x8xi32> to vector<147x8xf32>
      %concatenate3A = tpu.concatenate %convert_element_type3A_20, %convert_element_type3A_29, %convert_element_type3A_38, %convert_element_type3A_47, %convert_element_type3A_56, %convert_element_type3A_65, %convert_element_type3A_74, %convert_element_type3A_83 in 1 : vector<147x8xf32>, vector<147x8xf32>, vector<147x8xf32>, vector<147x8xf32>, vector<147x8xf32>, vector<147x8xf32>, vector<147x8xf32>, vector<147x8xf32> -> vector<147x64xf32>
      %get3A_84 = arith.constant 0 : index
      %get3A_85 = arith.constant 0 : index
      %get3A_86 = vector.load %arg2[%get3A_84, %get3A_85] : memref<64x512xf32, #tpu.memory_space<vmem>>, vector<64x512xf32>
      %dot_general3A_87 = arith.constant dense<0.000000e+00> : vector<147x512xf32>
      %dot_general3A_88 = tpu.matmul %concatenate3A, %get3A_86, %dot_general3A_87 {dimension_numbers = #tpu.dot_dimension_numbers<[1], [0], [0], [1], [0, 0, 1, 1], [], []>, transpose_lhs_hint = false} : vector<147x64xf32>, vector<64x512xf32>, vector<147x512xf32> -> vector<147x512xf32>
      %swap3A_89 = arith.constant 0 : index
      %swap3A_90 = arith.constant 0 : index
      %swap3A_91 = vector.load %arg6[%swap3A_89, %swap3A_90] : memref<1176x512xf32, #tpu.memory_space<vmem>>, vector<147x512xf32>
      tpu.vector_store %arg6[%swap3A_89, %swap3A_90], %dot_general3A_88 {strides = array<i32>} : memref<1176x512xf32, #tpu.memory_space<vmem>>, vector<147x512xf32>,
      %swap3A_92 = arith.constant 147 : index
      %swap3A_93 = arith.constant 0 : index
      %swap3A_94 = vector.load %arg6[%swap3A_92, %swap3A_93] : memref<1176x512xf32, #tpu.memory_space<vmem>>, vector<147x512xf32>
      tpu.vector_store %arg6[%swap3A_92, %swap3A_93], %dot_general3A_88 {strides = array<i32>} : memref<1176x512xf32, #tpu.memory_space<vmem>>, vector<147x512xf32>,
      %swap3A_95 = arith.constant 294 : index
      %swap3A_96 = arith.constant 0 : index
      %swap3A_97 = vector.load %arg6[%swap3A_95, %swap3A_96] : memref<1176x512xf32, #tpu.memory_space<vmem>>, vector<147x512xf32>
      tpu.vector_store %arg6[%swap3A_95, %swap3A_96], %dot_general3A_88 {strides = array<i32>} : memref<1176x512xf32, #tpu.memory_space<vmem>>, vector<147x512xf32>,
      %swap3A_98 = arith.constant 441 : index
      %swap3A_99 = arith.constant 0 : index
      %swap3A_100 = vector.load %arg6[%swap3A_98, %swap3A_99] : memref<1176x512xf32, #tpu.memory_space<vmem>>, vector<147x512xf32>
      tpu.vector_store %arg6[%swap3A_98, %swap3A_99], %dot_general3A_88 {strides = array<i32>} : memref<1176x512xf32, #tpu.memory_space<vmem>>, vector<147x512xf32>,
      %swap3A_101 = arith.constant 588 : index
      %swap3A_102 = arith.constant 0 : index
      %swap3A_103 = vector.load %arg6[%swap3A_101, %swap3A_102] : memref<1176x512xf32, #tpu.memory_space<vmem>>, vector<147x512xf32>
      tpu.vector_store %arg6[%swap3A_101, %swap3A_102], %dot_general3A_88 {strides = array<i32>} : memref<1176x512xf32, #tpu.memory_space<vmem>>, vector<147x512xf32>,
      %swap3A_104 = arith.constant 735 : index
      %swap3A_105 = arith.constant 0 : index
      %swap3A_106 = vector.load %arg6[%swap3A_104, %swap3A_105] : memref<1176x512xf32, #tpu.memory_space<vmem>>, vector<147x512xf32>
      tpu.vector_store %arg6[%swap3A_104, %swap3A_105], %dot_general3A_88 {strides = array<i32>} : memref<1176x512xf32, #tpu.memory_space<vmem>>, vector<147x512xf32>,
      %swap3A_107 = arith.constant 882 : index
      %swap3A_108 = arith.constant 0 : index
      %swap3A_109 = vector.load %arg6[%swap3A_107, %swap3A_108] : memref<1176x512xf32, #tpu.memory_space<vmem>>, vector<147x512xf32>
      tpu.vector_store %arg6[%swap3A_107, %swap3A_108], %dot_general3A_88 {strides = array<i32>} : memref<1176x512xf32, #tpu.memory_space<vmem>>, vector<147x512xf32>,
      %swap3A_110 = arith.constant 1029 : index
      %swap3A_111 = arith.constant 0 : index
      %swap3A_112 = vector.load %arg6[%swap3A_110, %swap3A_111] : memref<1176x512xf32, #tpu.memory_space<vmem>>, vector<147x512xf32>
      tpu.vector_store %arg6[%swap3A_110, %swap3A_111], %dot_general3A_88 {strides = array<i32>} : memref<1176x512xf32, #tpu.memory_space<vmem>>, vector<147x512xf32>,
    } else {
    }
    %get3A = arith.constant 0 : index
    %get3A_2 = arith.constant 0 : index
    %get3A_3 = vector.load %arg4[%get3A, %get3A_2] : memref<1176x128xf32, #tpu.memory_space<vmem>>, vector<1176x128xf32>
    %get3A_4 = arith.constant 0 : index
    %get3A_5 = arith.constant 0 : index
    %get3A_6 = vector.load %arg3[%get3A_4, %get3A_5] : memref<128x512xf32, #tpu.memory_space<vmem>>, vector<128x512xf32>
    %dot_general3A = arith.constant dense<0.000000e+00> : vector<1176x512xf32>
    %dot_general3A_7 = tpu.matmul %get3A_3, %get3A_6, %dot_general3A {dimension_numbers = #tpu.dot_dimension_numbers<[1], [0], [0], [1], [0, 0, 1, 1], [], []>, transpose_lhs_hint = false} : vector<1176x128xf32>, vector<128x512xf32>, vector<1176x512xf32> -> vector<1176x512xf32>
    %get3A_8 = arith.constant 0 : index
    %get3A_9 = arith.constant 0 : index
    %get3A_10 = vector.load %arg6[%get3A_8, %get3A_9] : memref<1176x512xf32, #tpu.memory_space<vmem>>, vector<1176x512xf32>
    %add3A = arith.addf %dot_general3A_7, %get3A_10 : vector<1176x512xf32>
    %swap3A = arith.constant 0 : index
    %swap3A_11 = arith.constant 0 : index
    %swap3A_12 = vector.load %arg5[%swap3A, %swap3A_11] : memref<1176x512xf32, #tpu.memory_space<vmem>>, vector<1176x512xf32>
    tpu.vector_store %arg5[%swap3A, %swap3A_11], %add3A {strides = array<i32>} : memref<1176x512xf32, #tpu.memory_space<vmem>>, vector<1176x512xf32>,
    return
  }
  func.func @transform_0(%arg0: i32) -> (i32, i32) {
    %c0_i32 = arith.constant 0 : i32
    %c0_i32_0 = arith.constant 0 : i32
    %c0_i32_1 = arith.constant 0 : i32
    return %c0_i32, %c0_i32_0 : i32, i32
  }
  func.func @transform_1(%arg0: i32) -> (i32, i32) {
    %c0_i32 = arith.constant 0 : i32
    %c0_i32_0 = arith.constant 0 : i32
    %c0_i32_1 = arith.constant 0 : i32
    return %c0_i32, %c0_i32_0 : i32, i32
  }
  func.func @transform_2(%arg0: i32) -> (i32, i32) {
    %c0_i32 = arith.constant 0 : i32
    %c0_i32_0 = arith.constant 0 : i32
    %c0_i32_1 = arith.constant 0 : i32
    return %c0_i32, %c0_i32_0 : i32, i32
  }
  func.func @transform_3(%arg0: i32) -> (i32, i32) {
    %c0_i32 = arith.constant 0 : i32
    %c0_i32_0 = arith.constant 0 : i32
    return %arg0, %c0_i32 : i32, i32
  }
  func.func @transform_4(%arg0: i32) -> (i32, i32) {
    %c0_i32 = arith.constant 0 : i32
    %c0_i32_0 = arith.constant 0 : i32
    return %arg0, %c0_i32 : i32, i32
  }
}

</mosaic_0001>

<sc_bundles>
// kernel: sparse-core-data-format-call.cloned.1.call-start
scs
called_computation_lowered:
.L_overlay_start_0:
0x0: {  	s2 =	sld [smem:$0x3FD9]  }
0x1: {  	s3 =	sld [smem:$0x3FFE];
	_ =	sdelay $0x1  }
0x2: {  	s1 =	srdreg.scid  }
0x3: {  	s0 =	sand.u32 $0x1, s1  }
0x4: {  	s18 =	sshll.u32 s0, $0xA;
	s2 =	sadd.s32 s3, s2  }
0x5: {  	s2 =	sadd.s32 s2, s18  }
0x6: {  	[smem:$0x3FC3] =	sst s2  }
0x7: {  	_ = 	snop  }
0x8: {  	s2 =	sld [smem:$0x3FD0];
	(tm) =	ssettm $0x1  }
0x9: {  	s19 =	sld [smem:$0x3FFB];
	_ =	sdelay $0x3  }
0xa: {  	_ =	strace s19  }
0xb: {  	s3 =	sld [smem:$0x3FFC];
	_ =	sdelay $0x3  }
0xc: {  	_ =	strace s3  }
0xd: {  	s3 =	sld [smem:$0x3FFD];
	_ =	sdelay $0x3  }
0xe: {  	_ =	strace s3  }
0xf: {  	_ =	strace $0x8FFFFFFF  }
0x10: {  	s20 =	sld [smem:$0x3FDB];
	_ =	sdelay $0x1  }
0x11: {  	s4 =	simm.s32 $_scs_section_size  }
0x12: {  	s5 =	simm.s32 $_size__tile_overlayer_lowered;
	s6 =	simm.s32 $_tile_overlayer_lowered  }
0x13: {  	s23 =	simm.s32 $0x1BFF;
	s22 =	sshll.u32 s6, $0x1;
	s3 =	sadd.s32 s4, s20  }
0x14: {  	s7 =	simm.s32 $0x0;
	s21 =	sshll.u32 s5, $0x1;
	s5 =	sadd.s32 s22, s3  }
0x15: {  	[timem:s7], [sflag:s23] =	dma.local [hbm:s5], s21  }
0x16: {  	_ =	swait.ge [sflag:s23], s21  }
0x17: {  	s4 =	ssub.s32 $0x0, s21;
	[sflag:s23] =	ssyncset.done $0x0  }
0x18: {  	[sflag:s23] =	ssyncadd.s32 s4;
	_ =	sdelay $0x1  }
0x19: {  	s24 =	simm.s32 $0x1B8B  }
0x1a: {  	_ =	swait.ge [sflag:s24], $0x1  }
0x1b: {  	[sflag:s24] =	ssyncset.done $0x0  }
0x1c: {  	s26 =	simm.s32 $0x1B8E;
	s25 =	sld [smem:$0x3FFE];
	[sflag:s24] =	ssyncadd.s32 $0xFFFFFFFF  }
0x1d: {  	s27 =	simm.s32 $execute0_lowered;
	[smem:$0x3FD2] =	sst s26  }
0x1e: {  	s5 =	sshll.u32 s27, $0x1;
	_ =	strace $0x80000046;
	[dreg:$0x1] =	wrdreg $0xFFFFFFFF  }
0x1f: {  	s28 =	simm.s32 $_size_execute0_lowered;
	s3 =	sadd.s32 s3, s5;
	[dreg:$0x0] =	wrdreg $0x0  }
0x20: {  	s5 =	sshll.u32 s28, $0x1;
	[dreg:$0x2] =	wrdreg s3  }
0x21: {  	[dreg:$0x3] =	wrdreg s5  }
0x22: {  	[dreg:$0x4] =	wrdreg $0xC0  }
0x23: {  	_ =	task [dreg:s7], $0x5FFFF  }
0x24: {  	[dreg:$0x1] =	wrdreg $0xFFFFFFFF  }
0x25: {  	[dreg:$0x0] =	wrdreg $0x60  }
0x26: {  	[dreg:$0x2] =	wrdreg s25  }
0x27: {  	[dreg:$0x3] =	wrdreg s2  }
0x28: {  	[dreg:$0x4] =	wrdreg $0x9  }
0x29: {  	_ =	task.clear_ibuf [dreg:s7], $0x5FFFF;
	_ =	strace $0x90000046  }
0x2a: {  	s29 =	simm.s32 $0x9;
	_ =	strace $0x80000048  }
0x2b: {  	_ =	swait.ge [sflag:s29], $0x1  }
0x2c: {  	[sflag:s29] =	ssyncadd.s32 $0xFFFFFFFF  }
0x2d: {  	_ =	strace $0x90000048  }
0x2e: {  	_ =	sfence  }
0x2f: {  	s30 =	sld [smem:$0x0];
	_ =	sdelay $0x2  }
0x30: {  	s31 =	sshll.u32 s1, $0xD;
	s1 =	sshrl.u32 s1, $0x2  }
0x31: {  	s3 =	sand.u32 $0x4000, s31;
	s1 =	sadd.s32 s1, s30  }
0x32: {  	s0 =	sor.u32 s3, s0;
	s1 =	sshll.u32 s1, $0x11  }
0x33: {  	s0 =	sor.u32 s1, s0  }
0x34: {  	s0 =	sadd.s32 $0x8F2B, s0  }
0x35: {  	[sflag:s0] =	ssyncadd.remote.s32 $0x1  }
0x36: {  	_ =	sfence.sel $0xFFFF  }
0x37: {  	[dreg:$0x0] =	wrdreg $0xFFFFFFFF;
	(pc) =	sbr.abs _section_cstart, $3  }
0x38: {  	[dreg:$0x1] =	wrdreg $0xFFFFFFFF  }
0x39: {  	_ =	task.clear_ibuf [dreg:s7], $0x2FFFF;
	_ =	strace $0x9FFFFFFF  }
0x3a: {  	(tm) =	ssettm $0x7FFFFFFF  }
0x3b: {  	_ =	shalt  }
tec
execute0_lowered:
.L_overlay_start_1:
0x0: {  	(tag) =	ssettag $0x1  }
0x1: {  	s0 =	stileid.u32;
	s6 =	rddreg [dreg:$0x0]  }
0x2: {  	s2 =	rddreg [dreg:$0x1];
	s5 =	srdreg.scid  }
0x3: {  	s31 =	simm.s32 $0x2;
	s13 =	simm.s32 $0x0;
	s1 =	sshll.u32 s0, $0x7  }
0x4: {  	s14 =	simm.s32 $0x0;
	s12 =	simm.s32 $0x0;
	s3 =	sand.u32 $0x380, s1  }
0x5: {  	s5 =	sshll.u32 s5, $0x4;
	s6 =	sadd.s32 $0xE00, s6;
	s4 =	ssub.s32 $0x400, s3  }
0x6: {  	s1 =	rddreg [dreg:$0x2];
	_ =	strace $0x80000047;
	s7 =	sand.u32 $0x380, s4  }
0x7: {  	s5 =	sand.u32 $0x10, s5;
	p0 =	sne.s32 s7, $0x0;
	s7 =	simm.s32 $0x1  }
.Ltmp0:
0x8: {  	s8 =	sshrl.u32 s4, $0xA;
	s7 =	simm.s32 @!p0 $0x0;
	(pc) =	sbr.rel .LBB1_1-.Ltmp0, $4  }
0x9: {  	s9 =	sor.u32 s0, s5;
	s4 =	simm.s32 $0x1;
	s30 =	sadd.s32 s7, s8  }
0xa: {  	s11 =	smov.u32 s3;
	[sflag:s4] =	ssyncpa.u1 $0x0;
	s5 =	smul.u32 $0x93, s30  }
0xb: {  	[sflag:s31] =	ssyncpa.u1 $0x0;
	p0 =	por $0x0, $0x0;
	s7 =	sshrl.u32 s9, $0x3  }
0xc: {  	s9 =	simm.s32 $0x2000;
	s10 =	smov.u32 s7;
	s8 =	sadd.s32 $0x1, s5  }
.LBB1_4:
0xd: {  	s17 =	sand.u32 $0x1F80, s14;
	s13 =	sshll.u32 s13, $0xD  }
0xe: {  	[tilespmem:s16+$0x810 ss:$0x81] =	vst.msk $0xffff, v2;
	s18 =	sshrl.u32 s14, $0x3;
	s31 =	sand.u32 $0x7, s14;
	s17 =	sadd.s32 s2, s17  }
0xf: {  	[tilespmem:s16+$0x1020 ss:$0x81] =	vst.msk $0xffff, v0;
	s18 =	sand.u32 $0xF, s18;
	s14 =	sshll.u32 s31, $0x12;
	s13 =	sadd.s32 s13, s17  }
0x10: {  	[tilespmem:s16+$0x0 ss:$0x81] =	vst.msk $0xffff, v1;
	s14 =	sor.u32 $0x400, s14;
	s13 =	sadd.s32 s18, s13  }
0x11: {  	[hbm4b:s13+s14] =	stream.strided.scatter [tilespmem:s15], [sflag:$0x2], $0x2000, s9, s14, $0x20;
	[tilespmem:$0x8080] =	vst v63  }
.LBB1_5:
0x12: {  	s15 =	sadd.s32 $0x4, s10  }
0x13: {  	s13 =	sadd.s32 $0x400, s11;
	s17 =	smov.u32 s11;
	p2 =	sgt.s32 s15, $0x24B  }
0x14: {  	s17 =	smov.u32 @p2 s13  }
0x15: {  	s15 =	smov.u32 @p2 s7;
	p2 =	sgt.s32 s17, $0x3FF  }
0x16: {  	s17 =	smov.u32 @p2 s3;
	p2 =	sne.s32 s12, s8  }
.Ltmp1:
0x17: {  	p1 =	slt.u32 s12, $0x2;
	(pc) =	sbr.rel @!p2 .LBB1_6-.Ltmp1, $4  }
0x18: {  	s16 =	simm.s32 @!p1 $0x2  }
0x19: {  	s14 =	smov.u32 s11;
	p0 =	por !p0, !p0;
	_ =	swait.ge @!p1 [sflag:s16], $0x2000  }
0x1a: {  	s13 =	smov.u32 s10;
	[sflag:s16] =	ssyncset.done @!p1 $0x0;
	s10 =	smov.u32 s15  }
0x1b: {  	s12 =	sadd.s32 $0x1, s12;
	[sflag:s16] =	ssyncadd.s32 @!p1 $0xFFFFE000;
	s11 =	smov.u32 s17  }
.LBB1_1:
0x1c: {  	p1 =	sge.u32 s12, s5  }
0x1d: {  	s15 =	sand.u32 @!p1 $0x1FFFFFF, s10  }
0x1e: {  	s16 =	smulhi.u32 @!p1 $0xDD67C9, s15;
	_ =	sdelay $0x1  }
0x1f: {  	s16 =	sshrl.u32 @!p1 s16, $0x1  }
0x20: {  	s16 =	smul.u32 @!p1 $0x250, s16  }
0x21: {  	s17 =	sxor.u32 @!p1 $0xFFFFFFFF, s12;
	s18 =	smul.u32 @!p1 $0x2500, s11  }
0x22: {  	s31 =	sadd.s32 $0xFFFFFFFF, s12;
	s17 =	sshll.u32 @!p1 s17, $0xD;
	s15 =	ssub.s32 @!p1 s15, s16  }
0x23: {  	s16 =	sand.u32 @!p1 $0x2000, s17;
	s17 =	sadd.s32 @!p1 s6, s18;
	s15 =	sshll.u32 @!p1 s15, $0x4  }
0x24: {  	s18 =	simm.s32 @!p1 $0x12800;
	s15 =	sadd.s32 @!p1 s15, s17;
	s17 =	simm.s32 @!p1 $0x40  }
0x25: {  	[tilespmem:s16], [sflag:$0x1] =	stream.strided.gather @!p1 [hbm4b:s15+s17], $0x2000, s18, s17, $0x38;
	[tilespmem:$0x8080] =	vst v63  }
0x26: {  	p1 =	sge.u32 s31, s5  }
.Ltmp2:
0x27: {  	_ = 	snop;
	(pc) =	sbr.rel @p1 .LBB1_5-.Ltmp2, $1  }
0x28: {  	_ =	sdelay $0x3  }
0x29: {  	s15 =	simm.s32 $0x1  }
0x2a: {  	_ =	swait.ge [sflag:s4], $0x2000;
	s15 =	simm.s32 @!p0 $0x0  }
0x2b: {  	[sflag:s4] =	ssyncset.done $0x0;
	s16 =	sshll.u32 s15, $0xD  }
0x2c: {  	[sflag:s4] =	ssyncadd.s32 $0xFFFFE000;
	s19 =	sor.u32 $0x20, s16  }
0x2d: {  	s15 =	smul.u32 $0x8100, s15;
	v3 =	vld [tilespmem:s19+$0x10]  }
0x2e: {  	s30 =	sand.u32 $0x1, s12;
	v2 =	vld [tilespmem:s19+$0xFFFFFFF0]  }
0x2f: {  	s16 =	smul.u32 $0x8100, s30;
	s15 =	sshrl.u32 s15, $0x2;
	v0 =	vld [tilespmem:s19+$0x0]  }
0x30: {  	v1 =	vld [tilespmem:s19+$0xFFFFFFE0];
	s17 =	sor.u32 $0x4000, s15  }
0x31: {  	s31 =	sshrl.u32 s16, $0x2;
	s16 =	sadd.s32 $0x0, s17  }
0x32: {  	s18 =	simm.s32 $0x4;
	s19 =	sadd.s32 $0x40, s19;
	s15 =	sor.u32 $0x4000, s31;
	[tilespmem:s16+$0x1830 ss:$0x81] =	vst.msk $0xffff, v3  }
.LBB1_3:
0x33: {  	v3 =	vld [tilespmem:s19+$0x10];
	p1 =	sne.s32 s18, $0x1FC;
	[tilespmem:s16+$0x810 ss:$0x81] =	vst.msk $0xffff, v2;
	s20 =	smov.u32 s18;
	s18 =	sadd.s32 $0x4, s18  }
.Ltmp3:
0x34: {  	v2 =	vld [tilespmem:s19+$0xFFFFFFF0];
	[tilespmem:s16+$0x1020 ss:$0x81] =	vst.msk $0xffff, v0;
	(pc) =	sbr.rel @p1 .LBB1_3-.Ltmp3, $4  }
0x35: {  	v0 =	vld [tilespmem:s19+$0x0];
	[tilespmem:s16+$0x0 ss:$0x81] =	vst.msk $0xffff, v1  }
0x36: {  	s16 =	sshra.s32 s20, $0x2;
	v1 =	vld [tilespmem:s19+$0xFFFFFFE0]  }
0x37: {  	s16 =	sadd.s32 s16, s17  }
0x38: {  	s19 =	sadd.s32 $0x40, s19;
	[tilespmem:s16+$0x1830 ss:$0x81] =	vst.msk $0xffff, v3  }
.Ltmp4:
0x39: {  	_ = 	snop;
	(pc) =	sbr.rel .LBB1_4-.Ltmp4, $1  }
0x3a: {  	_ =	sdelay $0x3  }
.LBB1_6:
0x3b: {  	_ =	sfence.sel $0x180000  }
0x3c: {  	s2 =	simm.s32 $0x1;
	[bflag:$0x0] =	sbarrier.arrive $0xFFFF  }
0x3d: {  	s31 =	simm.s32 $0x2;
	[sflag:s2] =	ssyncpa.u1 $0x1  }
0x3e: {  	[sflag:s31] =	ssyncpa.u1 $0x1  }
0x3f: {  	p0 =	sne.s32 s0, $0x0;
	_ =	strace $0x90000047  }
0x40: {  	s0 =	sadd.s32 @!p0 $0x100000, s1;
	[bflag:$0x2] =	sbarrier.arrive $0xFFFF  }
0x41: {  	[sflag:s0] =	ssyncadd.tile.s32 @!p0 $0x1;
	_ =	shalt  }
.Lfunc_end1:
_tile_overlayer_lowered:
.L_overlay_start_2:
0x42: {  	(tag) =	ssettag $0x2  }
0x43: {  	s0 =	rddreg [dreg:$0x0];
	s2 =	stileid.u32  }
0x44: {  	s1 =	rddreg [dreg:$0x1];
	p0 =	sne.s32 s2, $0x0  }
0x45: {  	s3 =	rddreg [dreg:$0x2];
	[bflag:$0x3] =	sbarrier.arrive $0xFFFF;
	s2 =	simm.s32 @!p0 $0x1C01  }
0x46: {  	[timem:s3], [sflag:s2] =	dma.local @!p0 [hbm:s0], s1  }
0x47: {  	s0 =	simm.s32 @!p0 $0x1  }
0x48: {  	_ =	swait.ge @!p0 [sflag:s0], s1  }
0x49: {  	s1 =	ssub.s32 @!p0 $0x0, s1;
	[sflag:s0] =	ssyncset.done @!p0 $0x0  }
0x4a: {  	[sflag:s0] =	ssyncadd.s32 @!p0 s1  }
0x4b: {  	[bflag:$0x3] =	sbarrier.arrive $0xFFFF  }
0x4c: {  	_ =	shalt  }

</sc_bundles>
